<compile_context>
chip_gen: v7x
topology: tpu7x:2x2x1
jax: 0.10.2.dev20260603
libtpu: 0.0.44.dev20260713+nightly
codegen_flags: <defaults>
</compile_context>

<pallas_src>
import functools

import jax
import jax.numpy as jnp
from jax import lax
from jax.experimental import pallas as pl
from jax.experimental.pallas import tpu as pltpu
from jax.experimental.pallas import tpu_sc as plsc

B, A, P, V, D = 4096, 200, 8, 92, 64
N = B * A
CH = 128
RT = 2048


def _sc_gather(table128, idx):
    info = plsc.get_sparse_core_info()
    nw = info.num_cores * info.num_subcores
    per_w = N // nw
    n_ch = per_w // CH
    mesh = plsc.VectorSubcoreMesh(core_axis_name="c", subcore_axis_name="s")

    @functools.partial(
        pl.kernel, mesh=mesh,
        out_type=jax.ShapeDtypeStruct((N, 128), jnp.float32),
        scratch_types=[
            pltpu.VMEM((CH,), jnp.int32),
            pltpu.VMEM((CH, 128), jnp.float32),
            pltpu.SemaphoreType.DMA,
        ],
    )
    def k(table_hbm, idx_hbm, out_hbm, idx_v, rows_v, sem):
        wid = lax.axis_index("s") * info.num_cores + lax.axis_index("c")
        base = wid * per_w

        def body(i, _):
            off = base + i * CH
            pltpu.sync_copy(idx_hbm.at[pl.ds(off, CH)], idx_v)
            pltpu.async_copy(table_hbm.at[idx_v], rows_v, sem).wait()
            pltpu.sync_copy(rows_v, out_hbm.at[pl.ds(off, CH)])
            return _

        lax.fori_loop(0, n_ch, body, None)

    return k(table128, idx)


def _tc_body(elem_ref, prop_ref, w1_ref, b1_ref, w2_ref, b2_ref, out_ref):
    p = prop_ref[...].astype(jnp.bfloat16)
    h = jnp.dot(p, w1_ref[...], preferred_element_type=jnp.float32)
    h = jnp.maximum(h + b1_ref[...], 0.0).astype(jnp.bfloat16)
    pe = jnp.dot(h, w2_ref[...], preferred_element_type=jnp.float32)
    out_ref[...] = elem_ref[:, :D] + pe + b2_ref[...]


def kernel(atomic_numbers, atomic_properties, table, W1, b1, W2, b2):
    idx = (atomic_numbers.astype(jnp.int32) - 1).reshape(N)
    table128 = jnp.zeros((V, 128), jnp.float32).at[:, :D].set(table)
    elem = _sc_gather(table128, idx)

    props = atomic_properties.reshape(N, P)
    out = pl.pallas_call(
        _tc_body,
        grid=(N // RT,),
        in_specs=[
            pl.BlockSpec((RT, 128), lambda i: (i, 0)),
            pl.BlockSpec((RT, P), lambda i: (i, 0)),
            pl.BlockSpec((P, 32), lambda i: (0, 0)),
            pl.BlockSpec((1, 32), lambda i: (0, 0)),
            pl.BlockSpec((32, D), lambda i: (0, 0)),
            pl.BlockSpec((1, D), lambda i: (0, 0)),
        ],
        out_specs=pl.BlockSpec((RT, D), lambda i: (i, 0)),
        out_shape=jax.ShapeDtypeStruct((N, D), jnp.float32),
        compiler_params=pltpu.CompilerParams(
            dimension_semantics=("arbitrary",),
        ),
    )(elem, props, W1.astype(jnp.bfloat16), b1.reshape(1, 32),
      W2.astype(jnp.bfloat16), b2.reshape(1, D))
    return out.reshape(B, A, D)

# --- scband reference (transcript-rebuilt; emitter-appended) ---
"""Pipeline reference for scband-atom-embedding-44427141710550 (READ-ONLY COPY).

The authoritative reference and input builder live on the scoring server;
editing this copy changes nothing except your own understanding.
"""

import jax, jax.numpy as jnp
import numpy as np

B, A, P, V, D = 4096, 200, 8, 92, 64

def setup_inputs(seed: int = 0) -> dict:
    key = jax.random.key(seed)
    k1, k2, k3, k4, k5, k6, k7 = jax.random.split(key, 7)
    # atomic numbers are 1..92 (forward subtracts 1 to index the table)
    atomic_numbers = jax.random.randint(k1, (B, A), 1, V + 1, dtype=jnp.int64)
    atomic_properties = jax.random.normal(k2, (B, A, P), dtype=jnp.float32)
    # nn.Embedding default init: N(0, 1)
    table = jax.random.normal(k3, (V, D), dtype=jnp.float32)
    # Linear layers: kaiming-uniform-ish init
    lim1 = 1.0 / np.sqrt(P)
    W1 = jax.random.uniform(k4, (P, 32), dtype=jnp.float32, minval=-lim1, maxval=lim1)
    b1 = jax.random.uniform(k5, (32,), dtype=jnp.float32, minval=-lim1, maxval=lim1)
    lim2 = 1.0 / np.sqrt(32)
    W2 = jax.random.uniform(k6, (32, D), dtype=jnp.float32, minval=-lim2, maxval=lim2)
    b2 = jax.random.uniform(k7, (D,), dtype=jnp.float32, minval=-lim2, maxval=lim2)
    return {"atomic_numbers": atomic_numbers, "atomic_properties": atomic_properties,
            "table": table, "W1": W1, "b1": b1, "W2": W2, "b2": b2}

def reference(atomic_numbers, atomic_properties, table, W1, b1, W2, b2):
    # element identity embedding: gather rows of the 92 x D table
    elem_emb = jnp.take(table, atomic_numbers - 1, axis=0)  # [B, A, D]
    # property MLP: Linear(8,32) -> ReLU -> Linear(32,D)
    h = jnp.maximum(atomic_properties @ W1 + b1, 0.0)
    prop_emb = h @ W2 + b2
    return elem_emb + prop_emb

if __name__ == "__main__":
    import jax
    _d = setup_inputs()
    print(jax.jit(kernel)(*tuple(_d.values())))

</pallas_src>

<mosaic_0001>
#map = affine_map<(d0, d1) -> (0, 0)>
#map1 = affine_map<(d0, d1) -> (0)>
module attributes {stable_mosaic.version = 14 : i64} {
  func.func @k(%arg0: i32, %arg1: i32, %arg2: memref<92x128xf32, #tpu.memory_space<hbm>>, %arg3: memref<819200xi32, #tpu.memory_space<hbm>>, %arg4: memref<819200x128xf32, #tpu.memory_space<hbm>>, %arg5: memref<128xi32, #tpu.memory_space<vmem>>, %arg6: memref<128x128xf32, #tpu.memory_space<vmem>>, %arg7: memref<!tpu.dma_semaphore, #tpu.memory_space<semaphore_mem>>) attributes {dimension_semantics = [#tpu.dimension_semantics<core_parallel>, #tpu.dimension_semantics<subcore_parallel>], iteration_bounds = array<i64: 2, 16>, scalar_prefetch = 0 : i64, scratch_operands = 3 : i64, tpu.core_type = #tpu.core_type<sc_vector_subcore>, window_params = [{transform_indices = #map}, {transform_indices = #map1}, {transform_indices = #map}]} {
    %mul3A = arith.constant 2 : i32
    %mul3A_0 = arith.muli %arg1, %mul3A : i32
    %add3A = arith.addi %mul3A_0, %arg0 : i32
    %mul3A_1 = arith.constant 25600 : i32
    %mul3A_2 = arith.muli %add3A, %mul3A_1 : i32
    %scan3A = arith.constant 0 : i32
    %scan3A_3 = arith.constant 200 : i32
    %scan3A_4 = arith.addi %scan3A, %scan3A_3 : i32
    %scan3A_5 = arith.constant 1 : i32
    scf.for %scan3A_7 = %scan3A to %scan3A_4 step %scan3A_5  : i32 {
      %mul3A_8 = arith.constant 128 : i32
      %mul3A_9 = arith.muli %scan3A_7, %mul3A_8 : i32
      %add3A_10 = arith.addi %mul3A_2, %mul3A_9 : i32
      "tpu.region"() ({
        %run_scoped3A = tpu.sem_alloc : memref<!tpu.dma_semaphore, #tpu.memory_space<semaphore_mem>>
        %dma_start3A_15 = tpu.memref_slice %arg3[%add3A_10] : memref<819200xi32, #tpu.memory_space<hbm>> -> memref<128xi32, #tpu.memory_space<hbm>>
        %dma_start3A_16 = tpu.memref_slice %arg3[%add3A_10] : memref<819200xi32, #tpu.memory_space<hbm>> -> memref<128xi32, #tpu.memory_space<hbm>>
        tpu.enqueue_dma source(%dma_start3A_16 : memref<128xi32, #tpu.memory_space<hbm>>) target(%arg5 : memref<128xi32, #tpu.memory_space<vmem>>) target_semaphore(%run_scoped3A : memref<!tpu.dma_semaphore, #tpu.memory_space<semaphore_mem>>)
        %dma_wait3A_17 = tpu.memref_slice %arg3[%add3A_10] : memref<819200xi32, #tpu.memory_space<hbm>> -> memref<128xi32, #tpu.memory_space<hbm>>
        %dma_wait3A_18 = tpu.memref_slice %arg3[%add3A_10] : memref<819200xi32, #tpu.memory_space<hbm>> -> memref<128xi32, #tpu.memory_space<hbm>>
        tpu.wait_dma2 semaphore(%run_scoped3A : memref<!tpu.dma_semaphore, #tpu.memory_space<semaphore_mem>>) src(%dma_wait3A_18 : memref<128xi32, #tpu.memory_space<hbm>>) dst(%arg5 : memref<128xi32, #tpu.memory_space<vmem>>)
        tpu.yield
      }) : () -> ()
      %dma_start3A = arith.constant 0 : i32
      %dma_start3A_11 = arith.constant 0 : i32
      %dma_start3A_12 = tpu.memref_slice %arg2[%dma_start3A, %dma_start3A_11] : memref<92x128xf32, #tpu.memory_space<hbm>> -> memref<92x128xf32, #tpu.memory_space<hbm>>
      tpu.enqueue_indirect_dma source(%dma_start3A_12 : memref<92x128xf32, #tpu.memory_space<hbm>>) target(%arg6 : memref<128x128xf32, #tpu.memory_space<vmem>>) offsets(%arg5 : memref<128xi32, #tpu.memory_space<vmem>>) semaphore(%arg7 : memref<!tpu.dma_semaphore, #tpu.memory_space<semaphore_mem>>)
      %dma_wait3A = arith.constant 0 : i32
      %dma_wait3A_13 = arith.constant 0 : i32
      %dma_wait3A_14 = tpu.memref_slice %arg2[%dma_wait3A, %dma_wait3A_13] : memref<92x128xf32, #tpu.memory_space<hbm>> -> memref<92x128xf32, #tpu.memory_space<hbm>>
      tpu.wait_indirect_dma semaphore(%arg7 : memref<!tpu.dma_semaphore, #tpu.memory_space<semaphore_mem>>) src(%dma_wait3A_14 : memref<92x128xf32, #tpu.memory_space<hbm>>) dst(%arg6 : memref<128x128xf32, #tpu.memory_space<vmem>>)
      "tpu.region"() ({
        %run_scoped3A = tpu.sem_alloc : memref<!tpu.dma_semaphore, #tpu.memory_space<semaphore_mem>>
        %dma_start3A_15 = arith.constant 0 : i32
        %dma_start3A_16 = tpu.memref_slice %arg4[%add3A_10, %dma_start3A_15] : memref<819200x128xf32, #tpu.memory_space<hbm>> -> memref<128x128xf32, #tpu.memory_space<hbm>>
        %dma_start3A_17 = arith.constant 0 : i32
        %dma_start3A_18 = tpu.memref_slice %arg4[%add3A_10, %dma_start3A_17] : memref<819200x128xf32, #tpu.memory_space<hbm>> -> memref<128x128xf32, #tpu.memory_space<hbm>>
        tpu.enqueue_dma source(%arg6 : memref<128x128xf32, #tpu.memory_space<vmem>>) target(%dma_start3A_18 : memref<128x128xf32, #tpu.memory_space<hbm>>) target_semaphore(%run_scoped3A : memref<!tpu.dma_semaphore, #tpu.memory_space<semaphore_mem>>)
        %dma_wait3A_19 = arith.constant 0 : i32
        %dma_wait3A_20 = tpu.memref_slice %arg4[%add3A_10, %dma_wait3A_19] : memref<819200x128xf32, #tpu.memory_space<hbm>> -> memref<128x128xf32, #tpu.memory_space<hbm>>
        %dma_wait3A_21 = arith.constant 0 : i32
        %dma_wait3A_22 = tpu.memref_slice %arg4[%add3A_10, %dma_wait3A_21] : memref<819200x128xf32, #tpu.memory_space<hbm>> -> memref<128x128xf32, #tpu.memory_space<hbm>>
        tpu.wait_dma2 semaphore(%run_scoped3A : memref<!tpu.dma_semaphore, #tpu.memory_space<semaphore_mem>>) src(%arg6 : memref<128x128xf32, #tpu.memory_space<vmem>>) dst(%dma_wait3A_22 : memref<128x128xf32, #tpu.memory_space<hbm>>)
        tpu.yield
      }) : () -> ()
    }
    %scan3A_6 = arith.constant 200 : i32
    return
  }
}

module attributes {stable_mosaic.version = 14 : i64} {
  func.func @_tc_body(%arg0: i32, %arg1: memref<2048x128xf32, #tpu.memory_space<vmem>>, %arg2: memref<2048x8xf32, #tpu.memory_space<vmem>>, %arg3: memref<8x32xbf16, #tpu.memory_space<vmem>>, %arg4: memref<1x32xf32, #tpu.memory_space<vmem>>, %arg5: memref<32x64xbf16, #tpu.memory_space<vmem>>, %arg6: memref<1x64xf32, #tpu.memory_space<vmem>>, %arg7: memref<2048x64xf32, #tpu.memory_space<vmem>>) attributes {dimension_semantics = [#tpu.dimension_semantics<arbitrary>], iteration_bounds = array<i64: 400>, scalar_prefetch = 0 : i64, scratch_operands = 0 : i64, tpu.core_type = #tpu.core_type<tc>, window_params = [{transform_indices = @transform_0, window_bounds = array<i64: 2048, 128>}, {transform_indices = @transform_1, window_bounds = array<i64: 2048, 8>}, {pipeline_mode = #tpu.pipeline_mode<synchronous>, transform_indices = @transform_2, window_bounds = array<i64: 8, 32>}, {pipeline_mode = #tpu.pipeline_mode<synchronous>, transform_indices = @transform_3, window_bounds = array<i64: 1, 32>}, {pipeline_mode = #tpu.pipeline_mode<synchronous>, transform_indices = @transform_4, window_bounds = array<i64: 32, 64>}, {pipeline_mode = #tpu.pipeline_mode<synchronous>, transform_indices = @transform_5, window_bounds = array<i64: 1, 64>}, {transform_indices = @transform_6, window_bounds = array<i64: 2048, 64>}]} {
    %get3A = arith.constant 0 : index
    %get3A_0 = arith.constant 0 : index
    %get3A_1 = vector.load %arg2[%get3A, %get3A_0] : memref<2048x8xf32, #tpu.memory_space<vmem>>, vector<2048x8xf32>
    %convert_element_type3A = arith.truncf %get3A_1 : vector<2048x8xf32> to vector<2048x8xbf16>
    %get3A_2 = arith.constant 0 : index
    %get3A_3 = arith.constant 0 : index
    %get3A_4 = vector.load %arg3[%get3A_2, %get3A_3] : memref<8x32xbf16, #tpu.memory_space<vmem>>, vector<8x32xbf16>
    %dot_general3A = arith.constant dense<0.000000e+00> : vector<2048x32xf32>
    %dot_general3A_5 = tpu.matmul %convert_element_type3A, %get3A_4, %dot_general3A {dimension_numbers = #tpu.dot_dimension_numbers<[1], [0], [0], [1], [0, 0, 1, 1], [], []>, transpose_lhs_hint = false} : vector<2048x8xbf16>, vector<8x32xbf16>, vector<2048x32xf32> -> vector<2048x32xf32>
    %get3A_6 = arith.constant 0 : index
    %get3A_7 = arith.constant 0 : index
    %get3A_8 = vector.load %arg4[%get3A_6, %get3A_7] : memref<1x32xf32, #tpu.memory_space<vmem>>, vector<1x32xf32>
    %add3A = vector.broadcast %get3A_8 : vector<1x32xf32> to vector<2048x32xf32>
    %add3A_9 = arith.addf %dot_general3A_5, %add3A : vector<2048x32xf32>
    %max3A = arith.constant 0.000000e+00 : f32
    %max3A_10 = vector.broadcast %max3A : f32 to vector<2048x32xf32>
    %max3A_11 = arith.maximumf %add3A_9, %max3A_10 : vector<2048x32xf32>
    %convert_element_type3A_12 = arith.truncf %max3A_11 : vector<2048x32xf32> to vector<2048x32xbf16>
    %get3A_13 = arith.constant 0 : index
    %get3A_14 = arith.constant 0 : index
    %get3A_15 = vector.load %arg5[%get3A_13, %get3A_14] : memref<32x64xbf16, #tpu.memory_space<vmem>>, vector<32x64xbf16>
    %dot_general3A_16 = arith.constant dense<0.000000e+00> : vector<2048x64xf32>
    %dot_general3A_17 = tpu.matmul %convert_element_type3A_12, %get3A_15, %dot_general3A_16 {dimension_numbers = #tpu.dot_dimension_numbers<[1], [0], [0], [1], [0, 0, 1, 1], [], []>, transpose_lhs_hint = false} : vector<2048x32xbf16>, vector<32x64xbf16>, vector<2048x64xf32> -> vector<2048x64xf32>
    %get3A_18 = arith.constant 0 : index
    %get3A_19 = arith.constant 0 : index
    %get3A_20 = vector.load %arg1[%get3A_18, %get3A_19] : memref<2048x128xf32, #tpu.memory_space<vmem>>, vector<2048x64xf32>
    %add3A_21 = arith.addf %get3A_20, %dot_general3A_17 : vector<2048x64xf32>
    %get3A_22 = arith.constant 0 : index
    %get3A_23 = arith.constant 0 : index
    %get3A_24 = vector.load %arg6[%get3A_22, %get3A_23] : memref<1x64xf32, #tpu.memory_space<vmem>>, vector<1x64xf32>
    %add3A_25 = vector.broadcast %get3A_24 : vector<1x64xf32> to vector<2048x64xf32>
    %add3A_26 = arith.addf %add3A_21, %add3A_25 : vector<2048x64xf32>
    %swap3A = arith.constant 0 : index
    %swap3A_27 = arith.constant 0 : index
    %swap3A_28 = vector.load %arg7[%swap3A, %swap3A_27] : memref<2048x64xf32, #tpu.memory_space<vmem>>, vector<2048x64xf32>
    tpu.vector_store %arg7[%swap3A, %swap3A_27], %add3A_26 {strides = array<i32>} : memref<2048x64xf32, #tpu.memory_space<vmem>>, vector<2048x64xf32>,
    return
  }
  func.func @transform_0(%arg0: i32) -> (i32, i32) {
    %c0_i32 = arith.constant 0 : i32
    %c0_i32_0 = arith.constant 0 : i32
    return %arg0, %c0_i32 : i32, i32
  }
  func.func @transform_1(%arg0: i32) -> (i32, i32) {
    %c0_i32 = arith.constant 0 : i32
    %c0_i32_0 = arith.constant 0 : i32
    return %arg0, %c0_i32 : i32, i32
  }
  func.func @transform_2(%arg0: i32) -> (i32, i32) {
    %c0_i32 = arith.constant 0 : i32
    %c0_i32_0 = arith.constant 0 : i32
    %c0_i32_1 = arith.constant 0 : i32
    return %c0_i32, %c0_i32_0 : i32, i32
  }
  func.func @transform_3(%arg0: i32) -> (i32, i32) {
    %c0_i32 = arith.constant 0 : i32
    %c0_i32_0 = arith.constant 0 : i32
    %c0_i32_1 = arith.constant 0 : i32
    return %c0_i32, %c0_i32_0 : i32, i32
  }
  func.func @transform_4(%arg0: i32) -> (i32, i32) {
    %c0_i32 = arith.constant 0 : i32
    %c0_i32_0 = arith.constant 0 : i32
    %c0_i32_1 = arith.constant 0 : i32
    return %c0_i32, %c0_i32_0 : i32, i32
  }
  func.func @transform_5(%arg0: i32) -> (i32, i32) {
    %c0_i32 = arith.constant 0 : i32
    %c0_i32_0 = arith.constant 0 : i32
    %c0_i32_1 = arith.constant 0 : i32
    return %c0_i32, %c0_i32_0 : i32, i32
  }
  func.func @transform_6(%arg0: i32) -> (i32, i32) {
    %c0_i32 = arith.constant 0 : i32
    %c0_i32_0 = arith.constant 0 : i32
    return %arg0, %c0_i32 : i32, i32
  }
}

</mosaic_0001>

<sc_bundles>
// kernel: kernel.4.cloned.1.call-start
scs
__scs_entry_jumppad:
0x0: {  	(pc) =	sbr.rel $0x88, $3  }
0x1: {  	(tag) =	ssettag $0x0;
	lr =	simm.s32 $0x1  }
0x2: {  	[smem:$0x3F9A] =	sst lr;
	_ =	strace $0xD0000000  }
0x3: {  	_ = 	snop  }
0x4: {  	_ = 	snop  }
0x5: {  	_ = 	snop  }
0x6: {  	_ = 	snop  }
0x7: {  	_ = 	snop  }
__scs_overlays_trampoline_lowered:
0x8: {  	[smem:$0x3FA9] =	sst s0  }
0x9: {  	[smem:$0x3FAA] =	sst s1  }
0xa: {  	[smem:$0x3FAB] =	sst s2  }
0xb: {  	[smem:$0x3FAC] =	sst s3  }
0xc: {  	[smem:$0x3FAD] =	sst s4  }
0xd: {  	[smem:$0x3FAE] =	sst s5  }
0xe: {  	[smem:$0x3FAF] =	sst s6  }
0xf: {  	[smem:$0x3FB0] =	sst s7  }
0x10: {  	[smem:$0x3FB1] =	sst s8  }
0x11: {  	[smem:$0x3FB2] =	sst s9;
	s0 =	simm.s32 @!p0 $0x0  }
0x12: {  	s1 =	sld [smem:$0x3F98];
	s0 =	simm.s32 @p0 $0x1  }
0x13: {  	[smem:$0x3FB3] =	sst s0;
	s0 =	simm.s32 @!p1 $0x0  }
0x14: {  	s2 =	sld [smem:$0x3F97];
	s0 =	simm.s32 @p1 $0x1  }
0x15: {  	[smem:$0x3FB4] =	sst s0;
	s0 =	simm.s32 @!p2 $0x0  }
0x16: {  	s3 =	sld [smem:$0x3FDB];
	s0 =	simm.s32 @p2 $0x1  }
0x17: {  	s4 =	simm.s32 $0x1BF5;
	[smem:$0x3FB6] =	sst s0  }
0x18: {  	s0 =	sld [smem:$0x3F99];
	_ =	swait.ge [sflag:s4], $0x0  }
0x19: {  	s7 =	sld [smem:$0x3F9A]  }
0x1a: {  	s8 =	sadd.s32 $0xFFFFE003, lr  }
0x1b: {  	s9 =	sadd.s32 $0xFFFFFEF7, lr;
	s5 =	simm.s32 $0xFFFFFFFF;
	p2 =	slt.u32 s8, $0xFFFFF086  }
0x1c: {  	p1 =	slt.u32 s9, $0xF7A;
	s5 =	simm.s32 @!p2 $0x0  }
0x1d: {  	s5 =	simm.s32 @p1 $0x1;
	p0 =	seq.s32 s7, s2  }
0x1e: {  	s7 =	smul.u32 @!p0 $0xF7A, s2;
	p2 =	seq.s32 @!p0 s5, $0x0  }
0x1f: {  	s9 =	smul.u32 $0xF7A, s1;
	s8 =	simm.s32 @!p0 $0x1BF5;
	p2 =	por !p2, p0  }
0x20: {  	[sflag:s8] =	ssyncset.s32 @!p0 $0xFFFFF086;
	s6 =	sadd.s32 @!p0 s3, s7;
	s7 =	simm.s32 @!p0 $0x108  }
0x21: {  	s3 =	sadd.s32 s3, s9;
	s6 =	sadd.s32 @!p0 $0x88, s6;
	s7 =	simm.s32 @p2 $0x1082  }
0x22: {  	[simem:s7], [sflag:s8] =	dma.local @!p0 [hbm:s6], $0xF7A  }
0x23: {  	s9 =	sor.u32 $0xD0000000, s2;
	s6 =	simm.s32 $0x108;
	_ =	swait.ge @!p0 [sflag:s8], $0x0  }
0x24: {  	s3 =	sadd.s32 $0x88, s3;
	s6 =	simm.s32 @!p1 $0x1082;
	[sflag:s4] =	ssyncset.s32 $0xFFFFF086  }
0x25: {  	[simem:s6], [sflag:s4] =	dma.local [hbm:s3], $0xF7A  }
0x26: {  	[smem:$0x3F9A] =	sst s1;
	(tag) =	ssettag s2;
	_ =	strace s9  }
0x27: {  	s1 =	sld [smem:$0x3FAA]  }
0x28: {  	s2 =	sld [smem:$0x3FAB]  }
0x29: {  	s4 =	sld [smem:$0x3FAD]  }
0x2a: {  	p0 =	seq.s32 s5, $0x0;
	s5 =	sld [smem:$0x3FAE]  }
0x2b: {  	s6 =	sld [smem:$0x3FAF]  }
0x2c: {  	s7 =	sld [smem:$0x3FB0]  }
0x2d: {  	s3 =	simm.s32 $0x108;
	s8 =	sld [smem:$0x3FB1]  }
0x2e: {  	s3 =	simm.s32 @!p0 $0x1082;
	s9 =	sld [smem:$0x3FB2]  }
0x2f: {  	lr =	sadd.s32 s0, s3;
	s0 =	sld [smem:$0x3FA9]  }
0x30: {  	s3 =	sld [smem:$0x3FAC]  }
0x31: {  	[smem:$0x3FB5] =	sst s10  }
0x32: {  	s10 =	sld [smem:$0x3FB3];
	_ =	sdelay $0x3  }
0x33: {  	p0 =	seq.s32 s10, $0x1;
	s10 =	sld [smem:$0x3FB5];
	_ =	sdelay $0x3  }
0x34: {  	[smem:$0x3FB5] =	sst s10  }
0x35: {  	s10 =	sld [smem:$0x3FB4];
	_ =	sdelay $0x3  }
0x36: {  	p1 =	seq.s32 s10, $0x1;
	s10 =	sld [smem:$0x3FB5];
	_ =	sdelay $0x3  }
0x37: {  	[smem:$0x3FB5] =	sst s10  }
0x38: {  	s10 =	sld [smem:$0x3FB6]  }
0x39: {  	_ = 	snop;
	(pc) =	sbr.ind lr, $3  }
0x3a: {  	_ = 	snop  }
0x3b: {  	_ = 	snop  }
0x3c: {  	p2 =	seq.s32 s10, $0x1;
	s10 =	sld [smem:$0x3FB5]  }
0x3d: {  	_ =	shalt  }
0x3e: {  	_ =	shalt  }
0x3f: {  	_ =	shalt  }
0x40: {  	_ =	shalt  }
0x41: {  	_ =	shalt  }
0x42: {  	_ =	shalt  }
0x43: {  	_ =	shalt  }
0x44: {  	_ =	shalt  }
0x45: {  	_ =	shalt  }
0x46: {  	_ =	shalt  }
0x47: {  	_ =	shalt  }
0x48: {  	_ =	shalt  }
0x49: {  	_ =	shalt  }
0x4a: {  	_ =	shalt  }
0x4b: {  	_ =	shalt  }
0x4c: {  	_ =	shalt  }
0x4d: {  	_ =	shalt  }
0x4e: {  	_ =	shalt  }
0x4f: {  	_ =	shalt  }
0x50: {  	_ =	shalt  }
0x51: {  	_ =	shalt  }
0x52: {  	_ =	shalt  }
0x53: {  	_ =	shalt  }
0x54: {  	_ =	shalt  }
0x55: {  	_ =	shalt  }
0x56: {  	_ =	shalt  }
0x57: {  	_ =	shalt  }
0x58: {  	_ =	shalt  }
0x59: {  	_ =	shalt  }
0x5a: {  	_ =	shalt  }
0x5b: {  	_ =	shalt  }
0x5c: {  	_ =	shalt  }
0x5d: {  	_ =	shalt  }
0x5e: {  	_ =	shalt  }
0x5f: {  	_ =	shalt  }
0x60: {  	_ =	shalt  }
0x61: {  	_ =	shalt  }
0x62: {  	_ =	shalt  }
0x63: {  	_ =	shalt  }
0x64: {  	_ =	shalt  }
0x65: {  	_ =	shalt  }
0x66: {  	_ =	shalt  }
0x67: {  	_ =	shalt  }
0x68: {  	_ =	shalt  }
0x69: {  	_ =	shalt  }
0x6a: {  	_ =	shalt  }
0x6b: {  	_ =	shalt  }
0x6c: {  	_ =	shalt  }
0x6d: {  	_ =	shalt  }
0x6e: {  	_ =	shalt  }
0x6f: {  	_ =	shalt  }
0x70: {  	_ =	shalt  }
0x71: {  	_ =	shalt  }
0x72: {  	_ =	shalt  }
0x73: {  	_ =	shalt  }
0x74: {  	_ =	shalt  }
0x75: {  	_ =	shalt  }
0x76: {  	_ =	shalt  }
0x77: {  	_ =	shalt  }
0x78: {  	_ =	shalt  }
0x79: {  	_ =	shalt  }
0x7a: {  	_ =	shalt  }
0x7b: {  	_ =	shalt  }
0x7c: {  	_ =	shalt  }
0x7d: {  	_ =	shalt  }
0x7e: {  	_ =	shalt  }
0x7f: {  	_ =	shalt  }
0x80: {  	_ =	shalt  }
0x81: {  	_ =	shalt  }
0x82: {  	_ =	shalt  }
0x83: {  	_ =	shalt  }
0x84: {  	_ =	shalt  }
0x85: {  	_ =	shalt  }
0x86: {  	_ =	shalt  }
0x87: {  	_ =	shalt  }
.Lfunc_end0:
.L_simem_size_0:
called_computation.1_lowered:
.L_overlay_start_0:
0x88: {  	s2 =	sld [smem:$0x3FD9]  }
0x89: {  	s3 =	sld [smem:$0x3FFE];
	_ =	sdelay $0x1  }
0x8a: {  	s1 =	srdreg.scid  }
0x8b: {  	s0 =	sand.u32 $0x1, s1  }
0x8c: {  	s17 =	sshll.u32 s0, $0xA;
	s2 =	sadd.s32 s3, s2  }
0x8d: {  	s2 =	sadd.s32 s2, s17  }
0x8e: {  	[smem:$0x3FC1] =	sst s2  }
0x8f: {  	_ = 	snop  }
0x90: {  	s2 =	sld [smem:$0x3FD0];
	(tm) =	ssettm $0x1  }
0x91: {  	s18 =	sld [smem:$0x3FFB];
	_ =	sdelay $0x3  }
0x92: {  	_ =	strace s18  }
0x93: {  	s3 =	sld [smem:$0x3FFC];
	_ =	sdelay $0x3  }
0x94: {  	_ =	strace s3  }
0x95: {  	s3 =	sld [smem:$0x3FFD];
	_ =	sdelay $0x3  }
0x96: {  	_ =	strace s3  }
0x97: {  	_ =	strace $0x8FFFFFFF  }
0x98: {  	s19 =	sld [smem:$0x3FDB];
	_ =	sdelay $0x1  }
0x99: {  	s4 =	simm.s32 $_scs_section_size  }
0x9a: {  	s5 =	simm.s32 $_size__tile_overlayer_lowered;
	s6 =	simm.s32 $_tile_overlayer_lowered  }
0x9b: {  	s22 =	simm.s32 $0x1BFF;
	s21 =	sshll.u32 s6, $0x1;
	s3 =	sadd.s32 s4, s19  }
0x9c: {  	s7 =	simm.s32 $0x0;
	s20 =	sshll.u32 s5, $0x1;
	s5 =	sadd.s32 s21, s3  }
0x9d: {  	[timem:s7], [sflag:s22] =	dma.local [hbm:s5], s20  }
0x9e: {  	_ =	swait.ge [sflag:s22], s20  }
0x9f: {  	s4 =	ssub.s32 $0x0, s20;
	[sflag:s22] =	ssyncset.done $0x0  }
0xa0: {  	[sflag:s22] =	ssyncadd.s32 s4;
	_ =	sdelay $0x1  }
0xa1: {  	s23 =	simm.s32 $0x1B8B  }
0xa2: {  	_ =	swait.ge [sflag:s23], $0x1  }
0xa3: {  	[sflag:s23] =	ssyncset.done $0x0  }
0xa4: {  	s25 =	simm.s32 $0x1B8E;
	s24 =	sld [smem:$0x3FFE];
	[sflag:s23] =	ssyncadd.s32 $0xFFFFFFFF  }
0xa5: {  	s26 =	simm.s32 $execute0_lowered;
	[smem:$0x3FD2] =	sst s25  }
0xa6: {  	s5 =	sshll.u32 s26, $0x1;
	_ =	strace $0x80000046;
	[dreg:$0x1] =	wrdreg $0xFFFFFFFF  }
0xa7: {  	s28 =	simm.s32 $_size_execute0_lowered;
	s3 =	sadd.s32 s3, s5;
	[dreg:$0x0] =	wrdreg $0x0  }
0xa8: {  	s5 =	sshll.u32 s28, $0x1;
	[dreg:$0x2] =	wrdreg s3  }
0xa9: {  	[dreg:$0x3] =	wrdreg s5  }
0xaa: {  	[dreg:$0x4] =	wrdreg $0xC0  }
0xab: {  	_ =	task [dreg:s7], $0x5FFFF  }
0xac: {  	[dreg:$0x1] =	wrdreg $0xFFFFFFFF  }
0xad: {  	[dreg:$0x0] =	wrdreg $0x60  }
0xae: {  	[dreg:$0x2] =	wrdreg s24  }
0xaf: {  	[dreg:$0x3] =	wrdreg s2  }
0xb0: {  	[dreg:$0x4] =	wrdreg $0x9  }
0xb1: {  	_ =	task.clear_ibuf [dreg:s7], $0x5FFFF;
	_ =	strace $0x90000046  }
0xb2: {  	s29 =	simm.s32 $0x9;
	_ =	strace $0x80000048  }
0xb3: {  	_ =	swait.ge [sflag:s29], $0x1  }
0xb4: {  	[sflag:s29] =	ssyncadd.s32 $0xFFFFFFFF  }
0xb5: {  	_ =	strace $0x90000048  }
0xb6: {  	_ =	sfence  }
0xb7: {  	s30 =	sld [smem:$0x0];
	_ =	sdelay $0x2  }
0xb8: {  	s31 =	sshll.u32 s1, $0xD;
	s1 =	sshrl.u32 s1, $0x2  }
0xb9: {  	s3 =	sand.u32 $0x4000, s31;
	s1 =	sadd.s32 s1, s30  }
0xba: {  	s0 =	sor.u32 s3, s0;
	s1 =	sshll.u32 s1, $0x11  }
0xbb: {  	s0 =	sor.u32 s1, s0  }
0xbc: {  	s0 =	sadd.s32 $0x8F2B, s0  }
0xbd: {  	[sflag:s0] =	ssyncadd.remote.s32 $0x1  }
0xbe: {  	_ =	sfence.sel $0xFFFF  }
0xbf: {  	[dreg:$0x0] =	wrdreg $0xFFFFFFFF;
	(pc) =	sbr.abs _section_cstart, $3  }
0xc0: {  	[dreg:$0x1] =	wrdreg $0xFFFFFFFF  }
0xc1: {  	_ =	task.clear_ibuf [dreg:s7], $0x2FFFF;
	_ =	strace $0x9FFFFFFF  }
0xc2: {  	(tm) =	ssettm $0x7FFFFFFF  }
0xc3: {  	_ =	shalt  }
tec
execute0_lowered:
.L_overlay_start_1:
0x0: {  	(tag) =	ssettag $0x1  }
0x1: {  	s3 =	rddreg [dreg:$0x0]  }
0x2: {  	s6 =	rddreg [dreg:$0x1]  }
0x3: {  	s0 =	rddreg [dreg:$0x2];
	s1 =	stileid.u32  }
0x4: {  	s2 =	simm.s32 $0x0;
	s5 =	srdreg.scid;
	s4 =	smul.u32 $0xC8000, s1  }
0x5: {  	[smem:$0x7FF] =	sst s2;
	s5 =	sand.u32 $0x1, s5;
	s7 =	smul.u32 $0xC800, s1  }
0x6: {  	_ =	strace $0x80000047;
	s8 =	ssub.s32 $0x2, s5;
	s9 =	smul.u32 $0x6400, s5  }
0x7: {  	s5 =	smul.u32 $0x64000, s5;
	s10 =	sadd.s32 s4, s3;
	s31 =	sshrl.u32 s8, $0x1  }
0x8: {  	s3 =	sadd.s32 $0xC00, s3;
	s4 =	ssub.s32 s8, s31;
	s7 =	sadd.s32 s9, s7  }
0x9: {  	s5 =	sadd.s32 s5, s10;
	s8 =	simm.s32 $0x80;
	s9 =	simm.s32 $0x1  }
0xa: {  	s10 =	simm.s32 $0x0;
	s4 =	smax.u32 s4, $0x1;
	s7 =	sshrl.u32 s7, $0x3  }
0xb: {  	s5 =	sadd.s32 $0x1200, s5;
	s6 =	sadd.s32 s7, s6;
	s7 =	simm.s32 $0x2  }
.LBB2_1:
0xc: {  	s11 =	sadd.s32 $0x0, s6  }
0xd: {  	[tilespmem:s2], [sflag:$0x2] =	stream.linear.gather [hbm4b:s11+s2], $0x80, $0x38;
	[tilespmem:$0x4080] =	vst v63  }
0xe: {  	_ =	swait.ge [sflag:s7], $0x80  }
0xf: {  	[sflag:s7] =	ssyncset.done $0x0  }
0x10: {  	[sflag:s7] =	ssyncadd.s32 $0xFFFFFF80  }
0x11: {  	[tilespmem:s8], [sflag:$0x1] =	stream.indirect.gather [hbm4b:s3+s8], $0x80, s2, s8, $0xb8;
	[tilespmem:$0x4080] =	vst v63  }
0x12: {  	_ =	swait.ge [sflag:s9], $0x4000  }
0x13: {  	[sflag:s9] =	ssyncset.done $0x0  }
0x14: {  	[sflag:s9] =	ssyncadd.s32 $0xFFFFC000  }
0x15: {  	[hbm4b:s5+s2] =	stream.linear.scatter [tilespmem:s8], [sflag:$0x2], $0x4000, $0x38;
	[tilespmem:$0x4080] =	vst v63  }
0x16: {  	s12 =	simm.s32 $0x10;
	_ =	swait.ge [sflag:s7], $0x4000  }
0x17: {  	s13 =	simm.s32 $0x20;
	s11 =	sadd.s32 $0x800, s5;
	[sflag:s7] =	ssyncset.done $0x0  }
.LBB2_2:
0x18: {  	s14 =	sadd.s32 s12, s6  }
0x19: {  	[sflag:s7] =	ssyncadd.s32 $0xFFFFC000;
	s12 =	smov.u32 s13;
	s15 =	sadd.s32 $0x10, s13  }
0x1a: {  	[tilespmem:s2], [sflag:$0x2] =	stream.linear.gather [hbm4b:s14+s2], $0x80, $0x38;
	[tilespmem:$0x4080] =	vst v63  }
0x1b: {  	p0 =	sne.s32 s13, $0xC70;
	_ =	swait.ge [sflag:s7], $0x80  }
0x1c: {  	[sflag:s7] =	ssyncset.done $0x0  }
0x1d: {  	[sflag:s7] =	ssyncadd.s32 $0xFFFFFF80  }
0x1e: {  	[tilespmem:s8], [sflag:$0x1] =	stream.indirect.gather [hbm4b:s3+s8], $0x80, s2, s8, $0xb8;
	[tilespmem:$0x4080] =	vst v63  }
0x1f: {  	_ =	swait.ge [sflag:s9], $0x4000  }
.Ltmp0:
0x20: {  	[sflag:s9] =	ssyncset.done $0x0;
	(pc) =	sbr.rel @p0 .LBB2_2-.Ltmp0, $4  }
0x21: {  	[sflag:s9] =	ssyncadd.s32 $0xFFFFC000  }
0x22: {  	[hbm4b:s11+s2] =	stream.linear.scatter [tilespmem:s8], [sflag:$0x2], $0x4000, $0x38;
	[tilespmem:$0x4080] =	vst v63  }
0x23: {  	_ =	swait.ge [sflag:s7], $0x4000  }
0x24: {  	s13 =	smov.u32 s15;
	s11 =	sadd.s32 $0x800, s11;
	[sflag:s7] =	ssyncset.done $0x0  }
0x25: {  	s12 =	sadd.s32 s12, s6;
	[sflag:s7] =	ssyncadd.s32 $0xFFFFC000  }
0x26: {  	[tilespmem:s2], [sflag:$0x2] =	stream.linear.gather [hbm4b:s12+s2], $0x80, $0x38;
	[tilespmem:$0x4080] =	vst v63  }
0x27: {  	_ =	swait.ge [sflag:s7], $0x80  }
0x28: {  	[sflag:s7] =	ssyncset.done $0x0  }
0x29: {  	[sflag:s7] =	ssyncadd.s32 $0xFFFFFF80  }
0x2a: {  	[tilespmem:s8], [sflag:$0x1] =	stream.indirect.gather [hbm4b:s3+s8], $0x80, s2, s8, $0xb8;
	[tilespmem:$0x4080] =	vst v63  }
0x2b: {  	s10 =	sadd.s32 $0x1, s10;
	_ =	swait.ge [sflag:s9], $0x4000  }
0x2c: {  	p0 =	sne.s32 s10, s4;
	[sflag:s9] =	ssyncset.done $0x0  }
.Ltmp1:
0x2d: {  	[sflag:s9] =	ssyncadd.s32 $0xFFFFC000;
	(pc) =	sbr.rel @p0 .LBB2_1-.Ltmp1, $4  }
0x2e: {  	[hbm4b:s11+s2] =	stream.linear.scatter [tilespmem:s8], [sflag:$0x2], $0x4000, $0x38;
	[tilespmem:$0x4080] =	vst v63  }
0x2f: {  	_ =	swait.ge [sflag:s7], $0x4000  }
0x30: {  	[sflag:s7] =	ssyncset.done $0x0  }
0x31: {  	[sflag:s7] =	ssyncadd.s32 $0xFFFFC000  }
0x32: {  	_ =	sfence.sel $0x180000  }
0x33: {  	[bflag:$0x0] =	sbarrier.arrive $0xFFFF  }
0x34: {  	p0 =	sne.s32 s1, $0x0;
	_ =	strace $0x90000047  }
0x35: {  	s0 =	sadd.s32 @!p0 $0x100000, s0;
	[bflag:$0x2] =	sbarrier.arrive $0xFFFF  }
0x36: {  	[sflag:s0] =	ssyncadd.tile.s32 @!p0 $0x1;
	_ =	shalt  }
.Lfunc_end2:
_tile_overlayer_lowered:
.L_overlay_start_2:
0x37: {  	(tag) =	ssettag $0x2  }
0x38: {  	s0 =	rddreg [dreg:$0x0];
	s2 =	stileid.u32  }
0x39: {  	s1 =	rddreg [dreg:$0x1];
	p0 =	sne.s32 s2, $0x0  }
0x3a: {  	s3 =	rddreg [dreg:$0x2];
	[bflag:$0x3] =	sbarrier.arrive $0xFFFF;
	s2 =	simm.s32 @!p0 $0x1C02  }
0x3b: {  	[timem:s3], [sflag:s2] =	dma.local @!p0 [hbm:s0], s1  }
0x3c: {  	s0 =	simm.s32 @!p0 $0x2  }
0x3d: {  	_ =	swait.ge @!p0 [sflag:s0], s1  }
0x3e: {  	s1 =	ssub.s32 @!p0 $0x0, s1;
	[sflag:s0] =	ssyncset.done @!p0 $0x0  }
0x3f: {  	[sflag:s0] =	ssyncadd.s32 @!p0 s1  }
0x40: {  	[bflag:$0x3] =	sbarrier.arrive $0xFFFF  }
0x41: {  	_ =	shalt  }

// kernel: sparse-core-data-format-call.cloned.1.call-start
scs
called_computation_lowered:
.L_overlay_start_0:
0x0: {  	s2 =	sld [smem:$0x3FD9]  }
0x1: {  	s3 =	sld [smem:$0x3FFE];
	_ =	sdelay $0x1  }
0x2: {  	s1 =	srdreg.scid  }
0x3: {  	s0 =	sand.u32 $0x1, s1  }
0x4: {  	s18 =	sshll.u32 s0, $0xA;
	s2 =	sadd.s32 s3, s2  }
0x5: {  	s2 =	sadd.s32 s2, s18  }
0x6: {  	[smem:$0x3FC1] =	sst s2  }
0x7: {  	_ = 	snop  }
0x8: {  	s2 =	sld [smem:$0x3FD0];
	(tm) =	ssettm $0x1  }
0x9: {  	s19 =	sld [smem:$0x3FFB];
	_ =	sdelay $0x3  }
0xa: {  	_ =	strace s19  }
0xb: {  	s3 =	sld [smem:$0x3FFC];
	_ =	sdelay $0x3  }
0xc: {  	_ =	strace s3  }
0xd: {  	s3 =	sld [smem:$0x3FFD];
	_ =	sdelay $0x3  }
0xe: {  	_ =	strace s3  }
0xf: {  	_ =	strace $0x8FFFFFFF  }
0x10: {  	s20 =	sld [smem:$0x3FDB];
	_ =	sdelay $0x1  }
0x11: {  	s4 =	simm.s32 $_scs_section_size  }
0x12: {  	s5 =	simm.s32 $_size__tile_overlayer_lowered;
	s6 =	simm.s32 $_tile_overlayer_lowered  }
0x13: {  	s23 =	simm.s32 $0x1BFF;
	s22 =	sshll.u32 s6, $0x1;
	s3 =	sadd.s32 s4, s20  }
0x14: {  	s7 =	simm.s32 $0x0;
	s21 =	sshll.u32 s5, $0x1;
	s5 =	sadd.s32 s22, s3  }
0x15: {  	[timem:s7], [sflag:s23] =	dma.local [hbm:s5], s21  }
0x16: {  	_ =	swait.ge [sflag:s23], s21  }
0x17: {  	s4 =	ssub.s32 $0x0, s21;
	[sflag:s23] =	ssyncset.done $0x0  }
0x18: {  	[sflag:s23] =	ssyncadd.s32 s4;
	_ =	sdelay $0x1  }
0x19: {  	s24 =	simm.s32 $0x1B8B  }
0x1a: {  	_ =	swait.ge [sflag:s24], $0x1  }
0x1b: {  	[sflag:s24] =	ssyncset.done $0x0  }
0x1c: {  	s26 =	simm.s32 $0x1B8E;
	s25 =	sld [smem:$0x3FFE];
	[sflag:s24] =	ssyncadd.s32 $0xFFFFFFFF  }
0x1d: {  	s27 =	simm.s32 $execute0_lowered;
	[smem:$0x3FD2] =	sst s26  }
0x1e: {  	s5 =	sshll.u32 s27, $0x1;
	_ =	strace $0x80000049;
	[dreg:$0x1] =	wrdreg $0xFFFFFFFF  }
0x1f: {  	s28 =	simm.s32 $_size_execute0_lowered;
	s3 =	sadd.s32 s3, s5;
	[dreg:$0x0] =	wrdreg $0x0  }
0x20: {  	s5 =	sshll.u32 s28, $0x1;
	[dreg:$0x2] =	wrdreg s3  }
0x21: {  	[dreg:$0x3] =	wrdreg s5  }
0x22: {  	[dreg:$0x4] =	wrdreg $0xC0  }
0x23: {  	_ =	task [dreg:s7], $0x5FFFF  }
0x24: {  	[dreg:$0x1] =	wrdreg $0xFFFFFFFF  }
0x25: {  	[dreg:$0x0] =	wrdreg $0x60  }
0x26: {  	[dreg:$0x2] =	wrdreg s25  }
0x27: {  	[dreg:$0x3] =	wrdreg s2  }
0x28: {  	[dreg:$0x4] =	wrdreg $0x9  }
0x29: {  	_ =	task.clear_ibuf [dreg:s7], $0x5FFFF;
	_ =	strace $0x90000049  }
0x2a: {  	s29 =	simm.s32 $0x9;
	_ =	strace $0x8000004B  }
0x2b: {  	_ =	swait.ge [sflag:s29], $0x1  }
0x2c: {  	[sflag:s29] =	ssyncadd.s32 $0xFFFFFFFF  }
0x2d: {  	_ =	strace $0x9000004B  }
0x2e: {  	_ =	sfence  }
0x2f: {  	s30 =	sld [smem:$0x0];
	_ =	sdelay $0x2  }
0x30: {  	s31 =	sshll.u32 s1, $0xD;
	s1 =	sshrl.u32 s1, $0x2  }
0x31: {  	s3 =	sand.u32 $0x4000, s31;
	s1 =	sadd.s32 s1, s30  }
0x32: {  	s0 =	sor.u32 s3, s0;
	s1 =	sshll.u32 s1, $0x11  }
0x33: {  	s0 =	sor.u32 s1, s0  }
0x34: {  	s0 =	sadd.s32 $0x8F2B, s0  }
0x35: {  	[sflag:s0] =	ssyncadd.remote.s32 $0x1  }
0x36: {  	_ =	sfence.sel $0xFFFF  }
0x37: {  	[dreg:$0x0] =	wrdreg $0xFFFFFFFF;
	(pc) =	sbr.abs _section_cstart, $3  }
0x38: {  	[dreg:$0x1] =	wrdreg $0xFFFFFFFF  }
0x39: {  	_ =	task.clear_ibuf [dreg:s7], $0x2FFFF;
	_ =	strace $0x9FFFFFFF  }
0x3a: {  	(tm) =	ssettm $0x7FFFFFFF  }
0x3b: {  	_ =	shalt  }
tec
execute0_lowered:
.L_overlay_start_1:
0x0: {  	(tag) =	ssettag $0x1  }
0x1: {  	s0 =	srdreg.scid  }
0x2: {  	s1 =	sshll.u32 s0, $0x4  }
0x3: {  	s0 =	stileid.u32;
	s1 =	sand.u32 $0x10, s1  }
0x4: {  	s1 =	sor.u32 s0, s1  }
0x5: {  	s6 =	rddreg [dreg:$0x0];
	s4 =	simm.s32 $0x1;
	s2 =	sshll.u32 s1, $0x7  }
0x6: {  	s7 =	simm.s32 $0x2;
	s12 =	simm.s32 $0x0;
	s1 =	ssub.s32 $0x1000, s2  }
0x7: {  	s8 =	simm.s32 $0x8000;
	s13 =	simm.s32 $0x0;
	s3 =	sand.u32 $0xF80, s1  }
0x8: {  	s9 =	simm.s32 $0x0;
	s5 =	sshrl.u32 s1, $0xC;
	p0 =	sne.s32 s3, $0x0  }
.Ltmp0:
0x9: {  	s1 =	rddreg [dreg:$0x2];
	s4 =	simm.s32 @!p0 $0x0;
	(pc) =	sbr.rel .LBB1_1-.Ltmp0, $4  }
0xa: {  	s11 =	simm.s32 $0x0;
	s3 =	rddreg [dreg:$0x1];
	s5 =	sadd.s32 s4, s5  }
0xb: {  	_ =	strace $0x8000004A;
	s4 =	simm.s32 $0x1;
	s5 =	smul.u32 $0xC8, s5  }
0xc: {  	s6 =	sadd.s32 $0x1901200, s6;
	s10 =	smov.u32 s2;
	[sflag:s4] =	ssyncpa.u1 $0x0  }
0xd: {  	p0 =	por $0x0, $0x0;
	[sflag:s7] =	ssyncpa.u1 $0x0;
	s7 =	sor.u32 $0x1, s5  }
.LBB1_4:
0xe: {  	s16 =	sshll.u32 s13, $0x3;
	s17 =	sand.u32 $0x78, s13  }
0xf: {  	s30 =	sand.u32 $0x7E00, s13;
	s12 =	sshll.u32 s12, $0xF;
	s16 =	sand.u32 $0xC00, s16  }
0x10: {  	[tilespmem:s15+$0x810 ss:$0x81] =	vst.msk $0xffff, v2;
	s31 =	sand.u32 $0x7, s13;
	s16 =	sor.u32 s17, s16;
	s17 =	sadd.s32 s3, s30  }
0x11: {  	[tilespmem:s15+$0x1020 ss:$0x81] =	vst.msk $0xffff, v0;
	s13 =	sshll.u32 s31, $0x12;
	s12 =	sadd.s32 s12, s17;
	s16 =	sshrl.u32 s16, $0x3  }
0x12: {  	[tilespmem:s15+$0x0 ss:$0x81] =	vst.msk $0xffff, v1;
	s13 =	sor.u32 $0x400, s13;
	s12 =	sadd.s32 s16, s12  }
0x13: {  	[hbm4b:s12+s13] =	stream.strided.scatter [tilespmem:s14], [sflag:$0x2], $0x2000, s8, s13, $0x20;
	[tilespmem:$0x8080] =	vst v63  }
.LBB1_5:
0x14: {  	s14 =	sadd.s32 $0x1, s9  }
0x15: {  	s12 =	sadd.s32 $0x1000, s10;
	s16 =	smov.u32 s10;
	p2 =	sgt.s32 s14, $0xC7  }
0x16: {  	s16 =	smov.u32 @p2 s12  }
0x17: {  	s14 =	simm.s32 @p2 $0x0;
	p2 =	sgt.s32 s16, $0xFFF  }
0x18: {  	s16 =	smov.u32 @p2 s2;
	p2 =	sne.s32 s11, s7  }
.Ltmp1:
0x19: {  	p1 =	slt.u32 s11, $0x2;
	(pc) =	sbr.rel @!p2 .LBB1_6-.Ltmp1, $4  }
0x1a: {  	s15 =	simm.s32 @!p1 $0x2  }
0x1b: {  	s13 =	smov.u32 s10;
	p0 =	por !p0, !p0;
	_ =	swait.ge @!p1 [sflag:s15], $0x2000  }
0x1c: {  	s12 =	smov.u32 s9;
	[sflag:s15] =	ssyncset.done @!p1 $0x0;
	s9 =	smov.u32 s14  }
0x1d: {  	s11 =	sadd.s32 $0x1, s11;
	[sflag:s15] =	ssyncadd.s32 @!p1 $0xFFFFE000;
	s10 =	smov.u32 s16  }
.LBB1_1:
0x1e: {  	p1 =	sge.u32 s11, s5  }
0x1f: {  	s14 =	sand.u32 @!p1 $0x1FFFFFF, s9  }
0x20: {  	s15 =	smulhi.u32 @!p1 $0x147AE15, s14;
	_ =	sdelay $0x1  }
0x21: {  	s15 =	smul.u32 @!p1 $0xC8, s15  }
0x22: {  	s16 =	sxor.u32 @!p1 $0xFFFFFFFF, s11;
	s17 =	smul.u32 @!p1 $0xC80, s10  }
0x23: {  	s31 =	sadd.s32 $0xFFFFFFFF, s11;
	s16 =	sshll.u32 @!p1 s16, $0xD;
	s14 =	ssub.s32 @!p1 s14, s15  }
0x24: {  	s15 =	sand.u32 @!p1 $0x2000, s16;
	s16 =	sadd.s32 @!p1 s6, s17;
	s14 =	sshll.u32 @!p1 s14, $0x4  }
0x25: {  	s17 =	simm.s32 @!p1 $0x6400;
	s14 =	sadd.s32 @!p1 s14, s16;
	s16 =	simm.s32 @!p1 $0x40  }
0x26: {  	[tilespmem:s15], [sflag:$0x1] =	stream.strided.gather @!p1 [hbm4b:s14+s16], $0x2000, s17, s16, $0x38;
	[tilespmem:$0x8080] =	vst v63  }
0x27: {  	p1 =	sge.u32 s31, s5  }
.Ltmp2:
0x28: {  	_ = 	snop;
	(pc) =	sbr.rel @p1 .LBB1_5-.Ltmp2, $1  }
0x29: {  	_ =	sdelay $0x3  }
0x2a: {  	s14 =	simm.s32 $0x1  }
0x2b: {  	_ =	swait.ge [sflag:s4], $0x2000;
	s14 =	simm.s32 @!p0 $0x0  }
0x2c: {  	[sflag:s4] =	ssyncset.done $0x0;
	s15 =	sshll.u32 s14, $0xD  }
0x2d: {  	[sflag:s4] =	ssyncadd.s32 $0xFFFFE000;
	s18 =	sor.u32 $0x20, s15  }
0x2e: {  	s14 =	smul.u32 $0x8100, s14;
	v3 =	vld [tilespmem:s18+$0x10]  }
0x2f: {  	s30 =	sand.u32 $0x1, s11;
	v2 =	vld [tilespmem:s18+$0xFFFFFFF0]  }
0x30: {  	s15 =	smul.u32 $0x8100, s30;
	s14 =	sshrl.u32 s14, $0x2;
	v0 =	vld [tilespmem:s18+$0x0]  }
0x31: {  	v1 =	vld [tilespmem:s18+$0xFFFFFFE0];
	s16 =	sor.u32 $0x4000, s14  }
0x32: {  	s31 =	sshrl.u32 s15, $0x2;
	s15 =	sadd.s32 $0x0, s16  }
0x33: {  	s17 =	simm.s32 $0x4;
	s18 =	sadd.s32 $0x40, s18;
	s14 =	sor.u32 $0x4000, s31;
	[tilespmem:s15+$0x1830 ss:$0x81] =	vst.msk $0xffff, v3  }
.LBB1_3:
0x34: {  	v3 =	vld [tilespmem:s18+$0x10];
	p1 =	sne.s32 s17, $0x1FC;
	[tilespmem:s15+$0x810 ss:$0x81] =	vst.msk $0xffff, v2;
	s19 =	smov.u32 s17;
	s17 =	sadd.s32 $0x4, s17  }
.Ltmp3:
0x35: {  	v2 =	vld [tilespmem:s18+$0xFFFFFFF0];
	[tilespmem:s15+$0x1020 ss:$0x81] =	vst.msk $0xffff, v0;
	(pc) =	sbr.rel @p1 .LBB1_3-.Ltmp3, $4  }
0x36: {  	v0 =	vld [tilespmem:s18+$0x0];
	[tilespmem:s15+$0x0 ss:$0x81] =	vst.msk $0xffff, v1  }
0x37: {  	s15 =	sshra.s32 s19, $0x2;
	v1 =	vld [tilespmem:s18+$0xFFFFFFE0]  }
0x38: {  	s15 =	sadd.s32 s15, s16  }
0x39: {  	s18 =	sadd.s32 $0x40, s18;
	[tilespmem:s15+$0x1830 ss:$0x81] =	vst.msk $0xffff, v3  }
.Ltmp4:
0x3a: {  	_ = 	snop;
	(pc) =	sbr.rel .LBB1_4-.Ltmp4, $1  }
0x3b: {  	_ =	sdelay $0x3  }
.LBB1_6:
0x3c: {  	_ =	sfence.sel $0x180000  }
0x3d: {  	s2 =	simm.s32 $0x1;
	[bflag:$0x0] =	sbarrier.arrive $0xFFFF  }
0x3e: {  	s31 =	simm.s32 $0x2;
	[sflag:s2] =	ssyncpa.u1 $0x1  }
0x3f: {  	[sflag:s31] =	ssyncpa.u1 $0x1  }
0x40: {  	p0 =	sne.s32 s0, $0x0;
	_ =	strace $0x9000004A  }
0x41: {  	s0 =	sadd.s32 @!p0 $0x100000, s1;
	[bflag:$0x2] =	sbarrier.arrive $0xFFFF  }
0x42: {  	[sflag:s0] =	ssyncadd.tile.s32 @!p0 $0x1;
	_ =	shalt  }
.Lfunc_end1:
_tile_overlayer_lowered:
.L_overlay_start_2:
0x43: {  	(tag) =	ssettag $0x2  }
0x44: {  	s0 =	rddreg [dreg:$0x0];
	s2 =	stileid.u32  }
0x45: {  	s1 =	rddreg [dreg:$0x1];
	p0 =	sne.s32 s2, $0x0  }
0x46: {  	s3 =	rddreg [dreg:$0x2];
	[bflag:$0x3] =	sbarrier.arrive $0xFFFF;
	s2 =	simm.s32 @!p0 $0x1C01  }
0x47: {  	[timem:s3], [sflag:s2] =	dma.local @!p0 [hbm:s0], s1  }
0x48: {  	s0 =	simm.s32 @!p0 $0x1  }
0x49: {  	_ =	swait.ge @!p0 [sflag:s0], s1  }
0x4a: {  	s1 =	ssub.s32 @!p0 $0x0, s1;
	[sflag:s0] =	ssyncset.done @!p0 $0x0  }
0x4b: {  	[sflag:s0] =	ssyncadd.s32 @!p0 s1  }
0x4c: {  	[bflag:$0x3] =	sbarrier.arrive $0xFFFF  }
0x4d: {  	_ =	shalt  }

</sc_bundles>
